<compile_context>
chip_gen: v7x
topology: tpu7x:2x2x1
jax: 0.10.2.dev20260603
libtpu: 0.0.44.dev20260713+nightly
codegen_flags: <defaults>
</compile_context>

<pallas_src>
import functools

import jax
import jax.numpy as jnp
from jax import lax
from jax.experimental import pallas as pl
from jax.experimental.pallas import tpu as pltpu
from jax.experimental.pallas import tpu_sc as plsc

N_SC_CORES = 2
N_SUBCORES = 16
CHUNK = 128
HALF = 64
BM = 512


def _sc_aggregate(feat, src4, dst4, zeros, zeros1, n, n_pad, k_chunks):
    mesh = plsc.VectorSubcoreMesh(core_axis_name="c", subcore_axis_name="s")

    @functools.partial(
        pl.kernel,
        out_type=(
            jax.ShapeDtypeStruct((N_SC_CORES, n_pad, HALF), jnp.float32),
            jax.ShapeDtypeStruct((N_SC_CORES, n_pad), jnp.float32),
        ),
        mesh=mesh,
        scratch_types=[
            pltpu.VMEM((k_chunks, CHUNK), jnp.int32),
            pltpu.VMEM((k_chunks, CHUNK), jnp.int32),
            pltpu.VMEM((CHUNK, HALF), jnp.float32),
            pltpu.VMEM((CHUNK,), jnp.float32),
            pltpu.VMEM_SHARED((n, HALF), jnp.float32),
            pltpu.VMEM_SHARED((n_pad, HALF), jnp.float32),
            pltpu.VMEM_SHARED((n_pad,), jnp.float32),
            pltpu.SemaphoreType.DMA,
        ],
        compiler_params=pltpu.CompilerParams(use_tc_tiling_on_sc=False),
    )
    def agg(feat_hbm, src_hbm, dst_hbm, zeros_hbm, zeros1_hbm,
            sums_hbm, degs_hbm,
            src_v, dst_v, rows_v, ones_v, feat_sh, acc_sh, deg_sh, sem):
        cid = lax.axis_index("c")
        sid = lax.axis_index("s")
        slab = n_pad // N_SUBCORES
        fslab = n // N_SUBCORES

        def fill(i, carry):
            ones_v[pl.ds(i * 16, 16)] = jnp.ones((16,), jnp.float32)
            return carry

        lax.fori_loop(0, CHUNK // 16, fill, 0)

        pltpu.sync_copy(
            feat_hbm.at[pl.ds(sid * fslab, fslab), pl.ds(cid * HALF, HALF)],
            feat_sh.at[pl.ds(sid * fslab, fslab)])
        pltpu.sync_copy(zeros_hbm.at[pl.ds(sid * slab, slab)],
                        acc_sh.at[pl.ds(sid * slab, slab)])
        pltpu.sync_copy(zeros1_hbm.at[pl.ds(sid * slab, slab)],
                        deg_sh.at[pl.ds(sid * slab, slab)])
        pltpu.sync_copy(src_hbm.at[sid], src_v)
        pltpu.sync_copy(dst_hbm.at[sid], dst_v)
        plsc.subcore_barrier()

        k_half = k_chunks // 2

        def body(j, carry):
            pltpu.async_copy(feat_sh.at[src_v.at[j]], rows_v, sem).wait()

            @pl.when(jnp.where(cid == 0, j < k_half, j >= k_half))
            def _():
                pltpu.sync_copy(ones_v, deg_sh.at[dst_v.at[j]], add=True)

            pltpu.sync_copy(rows_v, acc_sh.at[dst_v.at[j]], add=True)
            return carry

        lax.fori_loop(0, k_chunks, body, 0)
        plsc.subcore_barrier()

        pltpu.sync_copy(acc_sh.at[pl.ds(sid * slab, slab)],
                        sums_hbm.at[cid, pl.ds(sid * slab, slab)])
        pltpu.sync_copy(deg_sh.at[pl.ds(sid * slab, slab)],
                        degs_hbm.at[cid, pl.ds(sid * slab, slab)])

    return agg(feat, src4, dst4, zeros, zeros1)


def _tc_project(sums, degs, onehot, gate_w, gate_b_pad, n_pad, n):
    grid = n_pad // BM

    def body(sums_ref, degs_ref, oh_ref, w_ref, b_ref, out_ref):
        a0 = sums_ref[0]
        a1 = sums_ref[1]
        d = degs_ref[0] + degs_ref[1]
        inv = 1.0 / jnp.maximum(d, 1.0)
        neigh = jnp.concatenate([a0, a1], axis=1) * inv
        oh = oh_ref[...]
        p = jnp.dot(oh, b_ref[...], preferred_element_type=jnp.float32)
        for k in range(gate_w.shape[0]):
            xk = oh[:, k:k + 1] * neigh
            p = p + jnp.dot(xk, w_ref[k], preferred_element_type=jnp.float32)
        out_ref[...] = p

    return pl.pallas_call(
        body,
        grid=(grid,),
        in_specs=[
            pl.BlockSpec((N_SC_CORES, BM, HALF), lambda i: (0, i, 0)),
            pl.BlockSpec((N_SC_CORES, BM, 1), lambda i: (0, i, 0)),
            pl.BlockSpec((BM, 16), lambda i: (i, 0)),
            pl.BlockSpec(gate_w.shape, lambda i: (0, 0, 0)),
            pl.BlockSpec(gate_b_pad.shape, lambda i: (0, 0)),
        ],
        out_specs=pl.BlockSpec((BM, gate_w.shape[2]), lambda i: (i, 0)),
        out_shape=jax.ShapeDtypeStruct((n, gate_w.shape[2]), jnp.float32),
    )(sums, degs, onehot, gate_w, gate_b_pad)


def kernel(feat, edge_index, ntype2, gate_W, gate_b, act_flag):
    n, f = feat.shape
    e = edge_index.shape[1]
    in_dim = gate_W.shape[0]

    n_pad = ((n + 16) + BM - 1) // BM * BM

    per_round = N_SUBCORES * CHUNK
    k_chunks = (e + per_round - 1) // per_round
    e_pad = k_chunks * per_round
    src = jnp.concatenate(
        [edge_index[0], jnp.zeros((e_pad - e,), jnp.int32)])
    dst = jnp.concatenate(
        [edge_index[1], jnp.full((e_pad - e,), n, jnp.int32)])
    src4 = src.reshape(N_SUBCORES, k_chunks, CHUNK)
    dst4 = dst.reshape(N_SUBCORES, k_chunks, CHUNK)

    zeros = jnp.zeros((n_pad, HALF), jnp.float32)
    zeros1 = jnp.zeros((n_pad,), jnp.float32)
    sums, degs = _sc_aggregate(feat, src4, dst4, zeros, zeros1,
                               n, n_pad, k_chunks)
    degs = degs.reshape(N_SC_CORES, n_pad, 1)

    oh = (ntype2[:, None] == jnp.arange(16, dtype=jnp.int32)[None, :]
          ).astype(jnp.float32)
    oh = jnp.pad(oh, ((0, n_pad - n), (0, 0)))
    gate_b_pad = jnp.zeros((16, gate_b.shape[1]), jnp.float32).at[:in_dim].set(gate_b)

    return _tc_project(sums, degs, oh, gate_W, gate_b_pad, n_pad, n)

# --- scband reference (transcript-rebuilt; emitter-appended) ---
"""Pipeline reference for scband-function-conv-43611097924170 (READ-ONLY COPY).

The authoritative reference and input builder live on the scoring server;
editing this copy changes nothing except your own understanding.
"""

import jax, jax.numpy as jnp
import numpy as np

N = 10000
E = 320000
IN_FEATS = 128
OUT_FEATS = 128
IN_DIM = 12


def setup_inputs(seed: int = 0) -> dict:
    key = jax.random.key(seed)
    k1, k2, k3, k4, k5 = jax.random.split(key, 5)
    feat = jax.random.normal(k1, (N, IN_FEATS), dtype=jnp.float32)
    edge_index = jax.random.randint(k2, (2, E), 0, N, dtype=jnp.int32)
    ntype2 = jax.random.randint(k3, (N,), 0, IN_DIM, dtype=jnp.int32)
    # xavier_uniform with gain for relu, matching nn.init.xavier_uniform_(w, gain)
    gain = float(np.sqrt(2.0))
    bound = gain * float(np.sqrt(6.0 / (IN_FEATS + OUT_FEATS)))
    gate_W = jax.random.uniform(k4, (IN_DIM, IN_FEATS, OUT_FEATS), dtype=jnp.float32, minval=-bound, maxval=bound)
    gate_b = jnp.zeros((IN_DIM, OUT_FEATS), dtype=jnp.float32)
    return {"feat": feat, "edge_index": edge_index, "ntype2": ntype2, "gate_W": gate_W, "gate_b": gate_b, "act_flag": 1}


def reference(feat, edge_index, ntype2, gate_W, gate_b, act_flag):
    # forward path actually exercised by FunctionConv.forward:
    #   update_all(copy_src('h','m'), mean('m','neigh'), apply_nodes_func)
    # i.e. neigh[v] = mean_{u in N(v)} feat[u]; then per-node type-conditioned
    # linear layer: rst[v] = gate_functions[ntype2[v]](neigh[v]).
    n = feat.shape[0]
    src = edge_index[0]
    dst = edge_index[1]
    # gather source features along edges (copy_src)
    msg = jnp.take(feat, src, axis=0)
    # mean reduce over incoming edges (scatter-add + degree normalize)
    summed = jax.ops.segment_sum(msg, dst, num_segments=n)
    deg = jax.ops.segment_sum(jnp.ones((msg.shape[0],), dtype=feat.dtype), dst, num_segments=n)
    neigh = summed / jnp.maximum(deg, 1.0)[:, None]
    # apply_nodes_func: res[ntype2==i] = Linear_i(neigh[ntype2==i])
    # compute all IN_DIM projections then select per node by ntype2
    proj = jnp.einsum('ni,kio->kno', neigh, gate_W) + gate_b[:, None, :]
    rst = proj[ntype2, jnp.arange(n)]
    # self.activation is None in this configuration, so act_flag has no effect
    return rst

if __name__ == "__main__":
    import jax
    _d = setup_inputs()
    print(jax.jit(kernel)(*tuple(_d.values())))

</pallas_src>

<mosaic_0001>
#map = affine_map<(d0, d1) -> (0, 0)>
#map1 = affine_map<(d0, d1) -> (0, 0, 0)>
#map2 = affine_map<(d0, d1) -> (0)>
module attributes {stable_mosaic.version = 14 : i64} {
  func.func @agg(%arg0: i32, %arg1: i32, %arg2: memref<10000x128xf32, #tpu.memory_space<hbm>>, %arg3: memref<16x157x128xi32, #tpu.memory_space<hbm>>, %arg4: memref<16x157x128xi32, #tpu.memory_space<hbm>>, %arg5: memref<10240x64xf32, #tpu.memory_space<hbm>>, %arg6: memref<10240xf32, #tpu.memory_space<hbm>>, %arg7: memref<2x10240x64xf32, #tpu.memory_space<hbm>>, %arg8: memref<2x10240xf32, #tpu.memory_space<hbm>>, %arg9: memref<157x128xi32, #tpu.memory_space<vmem>>, %arg10: memref<157x128xi32, #tpu.memory_space<vmem>>, %arg11: memref<128x64xf32, #tpu.memory_space<vmem>>, %arg12: memref<128xf32, #tpu.memory_space<vmem>>, %arg13: memref<10000x64xf32, #tpu.memory_space<vmem_shared>>, %arg14: memref<10240x64xf32, #tpu.memory_space<vmem_shared>>, %arg15: memref<10240xf32, #tpu.memory_space<vmem_shared>>, %arg16: memref<!tpu.dma_semaphore, #tpu.memory_space<semaphore_mem>>) attributes {dimension_semantics = [#tpu.dimension_semantics<core_parallel>, #tpu.dimension_semantics<subcore_parallel>], iteration_bounds = array<i64: 2, 16>, scalar_prefetch = 0 : i64, scratch_operands = 8 : i64, tpu.core_type = #tpu.core_type<sc_vector_subcore>, window_params = [{transform_indices = #map}, {transform_indices = #map1}, {transform_indices = #map1}, {transform_indices = #map}, {transform_indices = #map2}, {transform_indices = #map1}, {transform_indices = #map}]} {
    %scan3A = arith.constant 0 : i32
    %scan3A_0 = arith.constant 0 : i32
    %scan3A_1 = arith.constant 8 : i32
    %scan3A_2 = arith.addi %scan3A_0, %scan3A_1 : i32
    %scan3A_3 = arith.constant 1 : i32
    scf.for %scan3A_33 = %scan3A_0 to %scan3A_2 step %scan3A_3  : i32 {
      %broadcast_in_dim3A = arith.constant 1.000000e+00 : f32
      %broadcast_in_dim3A_34 = vector.broadcast %broadcast_in_dim3A : f32 to vector<16xf32>
      %mul3A_35 = arith.constant 16 : i32
      %mul3A_36 = arith.muli %scan3A_33, %mul3A_35 : i32
      %swap3A = arith.index_cast %mul3A_36 : i32 to index
      %swap3A_37 = tpu.vector_load %arg12[%swap3A] {strides = array<i32>} : memref<128xf32, #tpu.memory_space<vmem>>, vector<16xf32>,
      %swap3A_38 = vector.shape_cast %swap3A_37 : vector<16xf32> to vector<16xf32>
      %swap3A_39 = vector.shape_cast %broadcast_in_dim3A_34 : vector<16xf32> to vector<16xf32>
      tpu.vector_store %arg12[%swap3A], %swap3A_39 {strides = array<i32>} : memref<128xf32, #tpu.memory_space<vmem>>, vector<16xf32>,
    }
    %scan3A_4 = arith.constant 8 : i32
    %mul3A = arith.constant 625 : i32
    %mul3A_5 = arith.muli %arg1, %mul3A : i32
    %mul3A_6 = arith.constant 64 : i32
    %mul3A_7 = arith.muli %arg0, %mul3A_6 : i32
    %mul3A_8 = arith.constant 625 : i32
    %mul3A_9 = arith.muli %arg1, %mul3A_8 : i32
    "tpu.region"() ({
      %run_scoped3A = tpu.sem_alloc : memref<!tpu.dma_semaphore, #tpu.memory_space<semaphore_mem>>
      %dma_start3A = arith.constant 0 : i32
      %dma_start3A_33 = tpu.memref_slice %arg13[%mul3A_9, %dma_start3A] : memref<10000x64xf32, #tpu.memory_space<vmem_shared>> -> memref<625x64xf32, #tpu.memory_space<vmem_shared>>
      %dma_start3A_34 = tpu.memref_slice %arg2[%mul3A_5, %mul3A_7] : memref<10000x128xf32, #tpu.memory_space<hbm>> -> memref<625x64xf32, #tpu.memory_space<hbm>>
      tpu.enqueue_dma source(%dma_start3A_34 : memref<625x64xf32, #tpu.memory_space<hbm>>) target(%dma_start3A_33 : memref<625x64xf32, #tpu.memory_space<vmem_shared>>) target_semaphore(%run_scoped3A : memref<!tpu.dma_semaphore, #tpu.memory_space<semaphore_mem>>)
      %dma_wait3A = arith.constant 0 : i32
      %dma_wait3A_35 = tpu.memref_slice %arg13[%mul3A_9, %dma_wait3A] : memref<10000x64xf32, #tpu.memory_space<vmem_shared>> -> memref<625x64xf32, #tpu.memory_space<vmem_shared>>
      %dma_wait3A_36 = tpu.memref_slice %arg2[%mul3A_5, %mul3A_7] : memref<10000x128xf32, #tpu.memory_space<hbm>> -> memref<625x64xf32, #tpu.memory_space<hbm>>
      tpu.wait_dma2 semaphore(%run_scoped3A : memref<!tpu.dma_semaphore, #tpu.memory_space<semaphore_mem>>) src(%dma_wait3A_36 : memref<625x64xf32, #tpu.memory_space<hbm>>) dst(%dma_wait3A_35 : memref<625x64xf32, #tpu.memory_space<vmem_shared>>)
      tpu.yield
    }) : () -> ()
    %mul3A_10 = arith.constant 640 : i32
    %mul3A_11 = arith.muli %arg1, %mul3A_10 : i32
    %mul3A_12 = arith.constant 640 : i32
    %mul3A_13 = arith.muli %arg1, %mul3A_12 : i32
    "tpu.region"() ({
      %run_scoped3A = tpu.sem_alloc : memref<!tpu.dma_semaphore, #tpu.memory_space<semaphore_mem>>
      %dma_start3A = arith.constant 0 : i32
      %dma_start3A_33 = tpu.memref_slice %arg14[%mul3A_13, %dma_start3A] : memref<10240x64xf32, #tpu.memory_space<vmem_shared>> -> memref<640x64xf32, #tpu.memory_space<vmem_shared>>
      %dma_start3A_34 = arith.constant 0 : i32
      %dma_start3A_35 = tpu.memref_slice %arg5[%mul3A_11, %dma_start3A_34] : memref<10240x64xf32, #tpu.memory_space<hbm>> -> memref<640x64xf32, #tpu.memory_space<hbm>>
      tpu.enqueue_dma source(%dma_start3A_35 : memref<640x64xf32, #tpu.memory_space<hbm>>) target(%dma_start3A_33 : memref<640x64xf32, #tpu.memory_space<vmem_shared>>) target_semaphore(%run_scoped3A : memref<!tpu.dma_semaphore, #tpu.memory_space<semaphore_mem>>)
      %dma_wait3A = arith.constant 0 : i32
      %dma_wait3A_36 = tpu.memref_slice %arg14[%mul3A_13, %dma_wait3A] : memref<10240x64xf32, #tpu.memory_space<vmem_shared>> -> memref<640x64xf32, #tpu.memory_space<vmem_shared>>
      %dma_wait3A_37 = arith.constant 0 : i32
      %dma_wait3A_38 = tpu.memref_slice %arg5[%mul3A_11, %dma_wait3A_37] : memref<10240x64xf32, #tpu.memory_space<hbm>> -> memref<640x64xf32, #tpu.memory_space<hbm>>
      tpu.wait_dma2 semaphore(%run_scoped3A : memref<!tpu.dma_semaphore, #tpu.memory_space<semaphore_mem>>) src(%dma_wait3A_38 : memref<640x64xf32, #tpu.memory_space<hbm>>) dst(%dma_wait3A_36 : memref<640x64xf32, #tpu.memory_space<vmem_shared>>)
      tpu.yield
    }) : () -> ()
    %mul3A_14 = arith.constant 640 : i32
    %mul3A_15 = arith.muli %arg1, %mul3A_14 : i32
    %mul3A_16 = arith.constant 640 : i32
    %mul3A_17 = arith.muli %arg1, %mul3A_16 : i32
    "tpu.region"() ({
      %run_scoped3A = tpu.sem_alloc : memref<!tpu.dma_semaphore, #tpu.memory_space<semaphore_mem>>
      %dma_start3A = tpu.memref_slice %arg15[%mul3A_17] : memref<10240xf32, #tpu.memory_space<vmem_shared>> -> memref<640xf32, #tpu.memory_space<vmem_shared>>
      %dma_start3A_33 = tpu.memref_slice %arg6[%mul3A_15] : memref<10240xf32, #tpu.memory_space<hbm>> -> memref<640xf32, #tpu.memory_space<hbm>>
      tpu.enqueue_dma source(%dma_start3A_33 : memref<640xf32, #tpu.memory_space<hbm>>) target(%dma_start3A : memref<640xf32, #tpu.memory_space<vmem_shared>>) target_semaphore(%run_scoped3A : memref<!tpu.dma_semaphore, #tpu.memory_space<semaphore_mem>>)
      %dma_wait3A = tpu.memref_slice %arg15[%mul3A_17] : memref<10240xf32, #tpu.memory_space<vmem_shared>> -> memref<640xf32, #tpu.memory_space<vmem_shared>>
      %dma_wait3A_34 = tpu.memref_slice %arg6[%mul3A_15] : memref<10240xf32, #tpu.memory_space<hbm>> -> memref<640xf32, #tpu.memory_space<hbm>>
      tpu.wait_dma2 semaphore(%run_scoped3A : memref<!tpu.dma_semaphore, #tpu.memory_space<semaphore_mem>>) src(%dma_wait3A_34 : memref<640xf32, #tpu.memory_space<hbm>>) dst(%dma_wait3A : memref<640xf32, #tpu.memory_space<vmem_shared>>)
      tpu.yield
    }) : () -> ()
    "tpu.region"() ({
      %run_scoped3A = tpu.sem_alloc : memref<!tpu.dma_semaphore, #tpu.memory_space<semaphore_mem>>
      %dma_start3A = arith.constant 0 : i32
      %dma_start3A_33 = arith.constant 0 : i32
      %dma_start3A_34 = tpu.memref_slice %arg3[%arg1, %dma_start3A, %dma_start3A_33] : memref<16x157x128xi32, #tpu.memory_space<hbm>> -> memref<1x157x128xi32, #tpu.memory_space<hbm>>
      %dma_start3A_35 = tpu.memref_squeeze %dma_start3A_34 : memref<1x157x128xi32, #tpu.memory_space<hbm>> -> memref<157x128xi32, #tpu.memory_space<hbm>>
      %dma_start3A_36 = arith.constant 0 : i32
      %dma_start3A_37 = arith.constant 0 : i32
      %dma_start3A_38 = tpu.memref_slice %arg3[%arg1, %dma_start3A_36, %dma_start3A_37] : memref<16x157x128xi32, #tpu.memory_space<hbm>> -> memref<1x157x128xi32, #tpu.memory_space<hbm>>
      %dma_start3A_39 = tpu.memref_squeeze %dma_start3A_38 : memref<1x157x128xi32, #tpu.memory_space<hbm>> -> memref<157x128xi32, #tpu.memory_space<hbm>>
      tpu.enqueue_dma source(%dma_start3A_39 : memref<157x128xi32, #tpu.memory_space<hbm>>) target(%arg9 : memref<157x128xi32, #tpu.memory_space<vmem>>) target_semaphore(%run_scoped3A : memref<!tpu.dma_semaphore, #tpu.memory_space<semaphore_mem>>)
      %dma_wait3A = arith.constant 0 : i32
      %dma_wait3A_40 = arith.constant 0 : i32
      %dma_wait3A_41 = tpu.memref_slice %arg3[%arg1, %dma_wait3A, %dma_wait3A_40] : memref<16x157x128xi32, #tpu.memory_space<hbm>> -> memref<1x157x128xi32, #tpu.memory_space<hbm>>
      %dma_wait3A_42 = tpu.memref_squeeze %dma_wait3A_41 : memref<1x157x128xi32, #tpu.memory_space<hbm>> -> memref<157x128xi32, #tpu.memory_space<hbm>>
      %dma_wait3A_43 = arith.constant 0 : i32
      %dma_wait3A_44 = arith.constant 0 : i32
      %dma_wait3A_45 = tpu.memref_slice %arg3[%arg1, %dma_wait3A_43, %dma_wait3A_44] : memref<16x157x128xi32, #tpu.memory_space<hbm>> -> memref<1x157x128xi32, #tpu.memory_space<hbm>>
      %dma_wait3A_46 = tpu.memref_squeeze %dma_wait3A_45 : memref<1x157x128xi32, #tpu.memory_space<hbm>> -> memref<157x128xi32, #tpu.memory_space<hbm>>
      tpu.wait_dma2 semaphore(%run_scoped3A : memref<!tpu.dma_semaphore, #tpu.memory_space<semaphore_mem>>) src(%dma_wait3A_46 : memref<157x128xi32, #tpu.memory_space<hbm>>) dst(%arg9 : memref<157x128xi32, #tpu.memory_space<vmem>>)
      tpu.yield
    }) : () -> ()
    "tpu.region"() ({
      %run_scoped3A = tpu.sem_alloc : memref<!tpu.dma_semaphore, #tpu.memory_space<semaphore_mem>>
      %dma_start3A = arith.constant 0 : i32
      %dma_start3A_33 = arith.constant 0 : i32
      %dma_start3A_34 = tpu.memref_slice %arg4[%arg1, %dma_start3A, %dma_start3A_33] : memref<16x157x128xi32, #tpu.memory_space<hbm>> -> memref<1x157x128xi32, #tpu.memory_space<hbm>>
      %dma_start3A_35 = tpu.memref_squeeze %dma_start3A_34 : memref<1x157x128xi32, #tpu.memory_space<hbm>> -> memref<157x128xi32, #tpu.memory_space<hbm>>
      %dma_start3A_36 = arith.constant 0 : i32
      %dma_start3A_37 = arith.constant 0 : i32
      %dma_start3A_38 = tpu.memref_slice %arg4[%arg1, %dma_start3A_36, %dma_start3A_37] : memref<16x157x128xi32, #tpu.memory_space<hbm>> -> memref<1x157x128xi32, #tpu.memory_space<hbm>>
      %dma_start3A_39 = tpu.memref_squeeze %dma_start3A_38 : memref<1x157x128xi32, #tpu.memory_space<hbm>> -> memref<157x128xi32, #tpu.memory_space<hbm>>
      tpu.enqueue_dma source(%dma_start3A_39 : memref<157x128xi32, #tpu.memory_space<hbm>>) target(%arg10 : memref<157x128xi32, #tpu.memory_space<vmem>>) target_semaphore(%run_scoped3A : memref<!tpu.dma_semaphore, #tpu.memory_space<semaphore_mem>>)
      %dma_wait3A = arith.constant 0 : i32
      %dma_wait3A_40 = arith.constant 0 : i32
      %dma_wait3A_41 = tpu.memref_slice %arg4[%arg1, %dma_wait3A, %dma_wait3A_40] : memref<16x157x128xi32, #tpu.memory_space<hbm>> -> memref<1x157x128xi32, #tpu.memory_space<hbm>>
      %dma_wait3A_42 = tpu.memref_squeeze %dma_wait3A_41 : memref<1x157x128xi32, #tpu.memory_space<hbm>> -> memref<157x128xi32, #tpu.memory_space<hbm>>
      %dma_wait3A_43 = arith.constant 0 : i32
      %dma_wait3A_44 = arith.constant 0 : i32
      %dma_wait3A_45 = tpu.memref_slice %arg4[%arg1, %dma_wait3A_43, %dma_wait3A_44] : memref<16x157x128xi32, #tpu.memory_space<hbm>> -> memref<1x157x128xi32, #tpu.memory_space<hbm>>
      %dma_wait3A_46 = tpu.memref_squeeze %dma_wait3A_45 : memref<1x157x128xi32, #tpu.memory_space<hbm>> -> memref<157x128xi32, #tpu.memory_space<hbm>>
      tpu.wait_dma2 semaphore(%run_scoped3A : memref<!tpu.dma_semaphore, #tpu.memory_space<semaphore_mem>>) src(%dma_wait3A_46 : memref<157x128xi32, #tpu.memory_space<hbm>>) dst(%arg10 : memref<157x128xi32, #tpu.memory_space<vmem>>)
      tpu.yield
    }) : () -> ()
    %barrier3A = arith.constant 0 : index
    tpu.barrier barrier_id(%barrier3A)
    %scan3A_18 = arith.constant 0 : i32
    %scan3A_19 = arith.constant 0 : i32
    %scan3A_20 = arith.constant 157 : i32
    %scan3A_21 = arith.addi %scan3A_19, %scan3A_20 : i32
    %scan3A_22 = arith.constant 1 : i32
    scf.for %scan3A_33 = %scan3A_19 to %scan3A_21 step %scan3A_22  : i32 {
      %dma_start3A = arith.constant 0 : i32
      %dma_start3A_34 = tpu.memref_slice %arg9[%scan3A_33, %dma_start3A] : memref<157x128xi32, #tpu.memory_space<vmem>> -> memref<1x128xi32, #tpu.memory_space<vmem>>
      %dma_start3A_35 = tpu.memref_squeeze %dma_start3A_34 : memref<1x128xi32, #tpu.memory_space<vmem>> -> memref<128xi32, #tpu.memory_space<vmem>>
      %dma_start3A_36 = arith.constant 0 : i32
      %dma_start3A_37 = arith.constant 0 : i32
      %dma_start3A_38 = tpu.memref_slice %arg13[%dma_start3A_36, %dma_start3A_37] : memref<10000x64xf32, #tpu.memory_space<vmem_shared>> -> memref<10000x64xf32, #tpu.memory_space<vmem_shared>>
      tpu.enqueue_indirect_dma source(%dma_start3A_38 : memref<10000x64xf32, #tpu.memory_space<vmem_shared>>) target(%arg11 : memref<128x64xf32, #tpu.memory_space<vmem>>) offsets(%dma_start3A_35 : memref<128xi32, #tpu.memory_space<vmem>>) semaphore(%arg16 : memref<!tpu.dma_semaphore, #tpu.memory_space<semaphore_mem>>)
      %dma_wait3A = arith.constant 0 : i32
      %dma_wait3A_39 = tpu.memref_slice %arg9[%scan3A_33, %dma_wait3A] : memref<157x128xi32, #tpu.memory_space<vmem>> -> memref<1x128xi32, #tpu.memory_space<vmem>>
      %dma_wait3A_40 = tpu.memref_squeeze %dma_wait3A_39 : memref<1x128xi32, #tpu.memory_space<vmem>> -> memref<128xi32, #tpu.memory_space<vmem>>
      %dma_wait3A_41 = arith.constant 0 : i32
      %dma_wait3A_42 = arith.constant 0 : i32
      %dma_wait3A_43 = tpu.memref_slice %arg13[%dma_wait3A_41, %dma_wait3A_42] : memref<10000x64xf32, #tpu.memory_space<vmem_shared>> -> memref<10000x64xf32, #tpu.memory_space<vmem_shared>>
      tpu.wait_indirect_dma semaphore(%arg16 : memref<!tpu.dma_semaphore, #tpu.memory_space<semaphore_mem>>) src(%dma_wait3A_43 : memref<10000x64xf32, #tpu.memory_space<vmem_shared>>) dst(%arg11 : memref<128x64xf32, #tpu.memory_space<vmem>>)
      %eq3A = arith.constant 0 : i32
      %eq3A_44 = arith.cmpi eq, %arg0, %eq3A : i32
      %lt3A = arith.constant 78 : i32
      %lt3A_45 = arith.cmpi slt, %scan3A_33, %lt3A : i32
      %ge3A = arith.constant 78 : i32
      %ge3A_46 = arith.cmpi sge, %scan3A_33, %ge3A : i32
      %select_n3A = arith.select %eq3A_44, %lt3A_45, %ge3A_46 : i1
      %convert_element_type3A = arith.extui %select_n3A : i1 to i32
      %cond3A = arith.constant 0 : i32
      %cond3A_47 = arith.cmpi ne, %convert_element_type3A, %cond3A : i32
      scf.if %cond3A_47 {
        "tpu.region"() ({
          %run_scoped3A = tpu.sem_alloc : memref<!tpu.dma_semaphore, #tpu.memory_space<semaphore_mem>>
          %dma_start3A_48 = arith.constant 0 : i32
          %dma_start3A_49 = tpu.memref_slice %arg10[%scan3A_33, %dma_start3A_48] : memref<157x128xi32, #tpu.memory_space<vmem>> -> memref<1x128xi32, #tpu.memory_space<vmem>>
          %dma_start3A_50 = tpu.memref_squeeze %dma_start3A_49 : memref<1x128xi32, #tpu.memory_space<vmem>> -> memref<128xi32, #tpu.memory_space<vmem>>
          %dma_start3A_51 = arith.constant 0 : i32
          %dma_start3A_52 = tpu.memref_slice %arg15[%dma_start3A_51] : memref<10240xf32, #tpu.memory_space<vmem_shared>> -> memref<10240xf32, #tpu.memory_space<vmem_shared>>
          tpu.enqueue_indirect_dma source(%arg12 : memref<128xf32, #tpu.memory_space<vmem>>) target(%dma_start3A_52 : memref<10240xf32, #tpu.memory_space<vmem_shared>>) offsets(%dma_start3A_50 : memref<128xi32, #tpu.memory_space<vmem>>) semaphore(%run_scoped3A : memref<!tpu.dma_semaphore, #tpu.memory_space<semaphore_mem>>) {add = true}
          %dma_wait3A_53 = arith.constant 0 : i32
          %dma_wait3A_54 = tpu.memref_slice %arg10[%scan3A_33, %dma_wait3A_53] : memref<157x128xi32, #tpu.memory_space<vmem>> -> memref<1x128xi32, #tpu.memory_space<vmem>>
          %dma_wait3A_55 = tpu.memref_squeeze %dma_wait3A_54 : memref<1x128xi32, #tpu.memory_space<vmem>> -> memref<128xi32, #tpu.memory_space<vmem>>
          %dma_wait3A_56 = arith.constant 0 : i32
          %dma_wait3A_57 = tpu.memref_slice %arg15[%dma_wait3A_56] : memref<10240xf32, #tpu.memory_space<vmem_shared>> -> memref<10240xf32, #tpu.memory_space<vmem_shared>>
          tpu.wait_indirect_dma semaphore(%run_scoped3A : memref<!tpu.dma_semaphore, #tpu.memory_space<semaphore_mem>>) src(%arg12 : memref<128xf32, #tpu.memory_space<vmem>>) dst(%dma_wait3A_57 : memref<10240xf32, #tpu.memory_space<vmem_shared>>)
          tpu.yield
        }) : () -> ()
      } else {
      }
      "tpu.region"() ({
        %run_scoped3A = tpu.sem_alloc : memref<!tpu.dma_semaphore, #tpu.memory_space<semaphore_mem>>
        %dma_start3A_48 = arith.constant 0 : i32
        %dma_start3A_49 = tpu.memref_slice %arg10[%scan3A_33, %dma_start3A_48] : memref<157x128xi32, #tpu.memory_space<vmem>> -> memref<1x128xi32, #tpu.memory_space<vmem>>
        %dma_start3A_50 = tpu.memref_squeeze %dma_start3A_49 : memref<1x128xi32, #tpu.memory_space<vmem>> -> memref<128xi32, #tpu.memory_space<vmem>>
        %dma_start3A_51 = arith.constant 0 : i32
        %dma_start3A_52 = arith.constant 0 : i32
        %dma_start3A_53 = tpu.memref_slice %arg14[%dma_start3A_51, %dma_start3A_52] : memref<10240x64xf32, #tpu.memory_space<vmem_shared>> -> memref<10240x64xf32, #tpu.memory_space<vmem_shared>>
        tpu.enqueue_indirect_dma source(%arg11 : memref<128x64xf32, #tpu.memory_space<vmem>>) target(%dma_start3A_53 : memref<10240x64xf32, #tpu.memory_space<vmem_shared>>) offsets(%dma_start3A_50 : memref<128xi32, #tpu.memory_space<vmem>>) semaphore(%run_scoped3A : memref<!tpu.dma_semaphore, #tpu.memory_space<semaphore_mem>>) {add = true}
        %dma_wait3A_54 = arith.constant 0 : i32
        %dma_wait3A_55 = tpu.memref_slice %arg10[%scan3A_33, %dma_wait3A_54] : memref<157x128xi32, #tpu.memory_space<vmem>> -> memref<1x128xi32, #tpu.memory_space<vmem>>
        %dma_wait3A_56 = tpu.memref_squeeze %dma_wait3A_55 : memref<1x128xi32, #tpu.memory_space<vmem>> -> memref<128xi32, #tpu.memory_space<vmem>>
        %dma_wait3A_57 = arith.constant 0 : i32
        %dma_wait3A_58 = arith.constant 0 : i32
        %dma_wait3A_59 = tpu.memref_slice %arg14[%dma_wait3A_57, %dma_wait3A_58] : memref<10240x64xf32, #tpu.memory_space<vmem_shared>> -> memref<10240x64xf32, #tpu.memory_space<vmem_shared>>
        tpu.wait_indirect_dma semaphore(%run_scoped3A : memref<!tpu.dma_semaphore, #tpu.memory_space<semaphore_mem>>) src(%arg11 : memref<128x64xf32, #tpu.memory_space<vmem>>) dst(%dma_wait3A_59 : memref<10240x64xf32, #tpu.memory_space<vmem_shared>>)
        tpu.yield
      }) : () -> ()
    }
    %scan3A_23 = arith.constant 157 : i32
    %barrier3A_24 = arith.constant 0 : index
    tpu.barrier barrier_id(%barrier3A_24)
    %mul3A_25 = arith.constant 640 : i32
    %mul3A_26 = arith.muli %arg1, %mul3A_25 : i32
    %mul3A_27 = arith.constant 640 : i32
    %mul3A_28 = arith.muli %arg1, %mul3A_27 : i32
    "tpu.region"() ({
      %run_scoped3A = tpu.sem_alloc : memref<!tpu.dma_semaphore, #tpu.memory_space<semaphore_mem>>
      %dma_start3A = arith.constant 0 : i32
      %dma_start3A_33 = tpu.memref_slice %arg7[%arg0, %mul3A_28, %dma_start3A] : memref<2x10240x64xf32, #tpu.memory_space<hbm>> -> memref<1x640x64xf32, #tpu.memory_space<hbm>>
      %dma_start3A_34 = tpu.memref_squeeze %dma_start3A_33 : memref<1x640x64xf32, #tpu.memory_space<hbm>> -> memref<640x64xf32, #tpu.memory_space<hbm>>
      %dma_start3A_35 = arith.constant 0 : i32
      %dma_start3A_36 = tpu.memref_slice %arg14[%mul3A_26, %dma_start3A_35] : memref<10240x64xf32, #tpu.memory_space<vmem_shared>> -> memref<640x64xf32, #tpu.memory_space<vmem_shared>>
      tpu.enqueue_dma source(%dma_start3A_36 : memref<640x64xf32, #tpu.memory_space<vmem_shared>>) target(%dma_start3A_34 : memref<640x64xf32, #tpu.memory_space<hbm>>) target_semaphore(%run_scoped3A : memref<!tpu.dma_semaphore, #tpu.memory_space<semaphore_mem>>)
      %dma_wait3A = arith.constant 0 : i32
      %dma_wait3A_37 = tpu.memref_slice %arg7[%arg0, %mul3A_28, %dma_wait3A] : memref<2x10240x64xf32, #tpu.memory_space<hbm>> -> memref<1x640x64xf32, #tpu.memory_space<hbm>>
      %dma_wait3A_38 = tpu.memref_squeeze %dma_wait3A_37 : memref<1x640x64xf32, #tpu.memory_space<hbm>> -> memref<640x64xf32, #tpu.memory_space<hbm>>
      %dma_wait3A_39 = arith.constant 0 : i32
      %dma_wait3A_40 = tpu.memref_slice %arg14[%mul3A_26, %dma_wait3A_39] : memref<10240x64xf32, #tpu.memory_space<vmem_shared>> -> memref<640x64xf32, #tpu.memory_space<vmem_shared>>
      tpu.wait_dma2 semaphore(%run_scoped3A : memref<!tpu.dma_semaphore, #tpu.memory_space<semaphore_mem>>) src(%dma_wait3A_40 : memref<640x64xf32, #tpu.memory_space<vmem_shared>>) dst(%dma_wait3A_38 : memref<640x64xf32, #tpu.memory_space<hbm>>)
      tpu.yield
    }) : () -> ()
    %mul3A_29 = arith.constant 640 : i32
    %mul3A_30 = arith.muli %arg1, %mul3A_29 : i32
    %mul3A_31 = arith.constant 640 : i32
    %mul3A_32 = arith.muli %arg1, %mul3A_31 : i32
    "tpu.region"() ({
      %run_scoped3A = tpu.sem_alloc : memref<!tpu.dma_semaphore, #tpu.memory_space<semaphore_mem>>
      %dma_start3A = tpu.memref_slice %arg8[%arg0, %mul3A_32] : memref<2x10240xf32, #tpu.memory_space<hbm>> -> memref<1x640xf32, #tpu.memory_space<hbm>>
      %dma_start3A_33 = tpu.memref_squeeze %dma_start3A : memref<1x640xf32, #tpu.memory_space<hbm>> -> memref<640xf32, #tpu.memory_space<hbm>>
      %dma_start3A_34 = tpu.memref_slice %arg15[%mul3A_30] : memref<10240xf32, #tpu.memory_space<vmem_shared>> -> memref<640xf32, #tpu.memory_space<vmem_shared>>
      tpu.enqueue_dma source(%dma_start3A_34 : memref<640xf32, #tpu.memory_space<vmem_shared>>) target(%dma_start3A_33 : memref<640xf32, #tpu.memory_space<hbm>>) target_semaphore(%run_scoped3A : memref<!tpu.dma_semaphore, #tpu.memory_space<semaphore_mem>>)
      %dma_wait3A = tpu.memref_slice %arg8[%arg0, %mul3A_32] : memref<2x10240xf32, #tpu.memory_space<hbm>> -> memref<1x640xf32, #tpu.memory_space<hbm>>
      %dma_wait3A_35 = tpu.memref_squeeze %dma_wait3A : memref<1x640xf32, #tpu.memory_space<hbm>> -> memref<640xf32, #tpu.memory_space<hbm>>
      %dma_wait3A_36 = tpu.memref_slice %arg15[%mul3A_30] : memref<10240xf32, #tpu.memory_space<vmem_shared>> -> memref<640xf32, #tpu.memory_space<vmem_shared>>
      tpu.wait_dma2 semaphore(%run_scoped3A : memref<!tpu.dma_semaphore, #tpu.memory_space<semaphore_mem>>) src(%dma_wait3A_36 : memref<640xf32, #tpu.memory_space<vmem_shared>>) dst(%dma_wait3A_35 : memref<640xf32, #tpu.memory_space<hbm>>)
      tpu.yield
    }) : () -> ()
    return
  }
}

module attributes {stable_mosaic.version = 14 : i64} {
  func.func @body(%arg0: i32, %arg1: memref<2x512x64xf32, #tpu.memory_space<vmem>>, %arg2: memref<2x512x1xf32, #tpu.memory_space<vmem>>, %arg3: memref<512x16xf32, #tpu.memory_space<vmem>>, %arg4: memref<12x128x128xf32, #tpu.memory_space<vmem>>, %arg5: memref<16x128xf32, #tpu.memory_space<vmem>>, %arg6: memref<512x128xf32, #tpu.memory_space<vmem>>) attributes {dimension_semantics = [#tpu.dimension_semantics<arbitrary>], iteration_bounds = array<i64: 20>, scalar_prefetch = 0 : i64, scratch_operands = 0 : i64, tpu.core_type = #tpu.core_type<tc>, window_params = [{transform_indices = @transform_0, window_bounds = array<i64: 2, 512, 64>}, {transform_indices = @transform_1, window_bounds = array<i64: 2, 512, 1>}, {transform_indices = @transform_2, window_bounds = array<i64: 512, 16>}, {pipeline_mode = #tpu.pipeline_mode<synchronous>, transform_indices = @transform_3, window_bounds = array<i64: 12, 128, 128>}, {pipeline_mode = #tpu.pipeline_mode<synchronous>, transform_indices = @transform_4, window_bounds = array<i64: 16, 128>}, {transform_indices = @transform_5, window_bounds = array<i64: 512, 128>}]} {
    %get3A = arith.constant 0 : index
    %get3A_0 = arith.constant 0 : index
    %get3A_1 = arith.constant 0 : index
    %get3A_2 = vector.load %arg1[%get3A, %get3A_0, %get3A_1] : memref<2x512x64xf32, #tpu.memory_space<vmem>>, vector<1x512x64xf32>
    %get3A_3 = vector.shape_cast %get3A_2 : vector<1x512x64xf32> to vector<512x64xf32>
    %get3A_4 = arith.constant 1 : index
    %get3A_5 = arith.constant 0 : index
    %get3A_6 = arith.constant 0 : index
    %get3A_7 = vector.load %arg1[%get3A_4, %get3A_5, %get3A_6] : memref<2x512x64xf32, #tpu.memory_space<vmem>>, vector<1x512x64xf32>
    %get3A_8 = vector.shape_cast %get3A_7 : vector<1x512x64xf32> to vector<512x64xf32>
    %get3A_9 = arith.constant 0 : index
    %get3A_10 = arith.constant 0 : index
    %get3A_11 = arith.constant 0 : index
    %get3A_12 = vector.load %arg2[%get3A_9, %get3A_10, %get3A_11] : memref<2x512x1xf32, #tpu.memory_space<vmem>>, vector<1x512x1xf32>
    %get3A_13 = vector.shape_cast %get3A_12 : vector<1x512x1xf32> to vector<512x1xf32>
    %get3A_14 = arith.constant 1 : index
    %get3A_15 = arith.constant 0 : index
    %get3A_16 = arith.constant 0 : index
    %get3A_17 = vector.load %arg2[%get3A_14, %get3A_15, %get3A_16] : memref<2x512x1xf32, #tpu.memory_space<vmem>>, vector<1x512x1xf32>
    %get3A_18 = vector.shape_cast %get3A_17 : vector<1x512x1xf32> to vector<512x1xf32>
    %add3A = arith.addf %get3A_13, %get3A_18 : vector<512x1xf32>
    %max3A = arith.constant 1.000000e+00 : f32
    %max3A_19 = vector.broadcast %max3A : f32 to vector<512x1xf32>
    %max3A_20 = arith.maximumf %add3A, %max3A_19 : vector<512x1xf32>
    %div3A = arith.constant 1.000000e+00 : f32
    %div3A_21 = vector.broadcast %div3A : f32 to vector<512x1xf32>
    %div3A_22 = arith.divf %div3A_21, %max3A_20 : vector<512x1xf32>
    %concatenate3A = tpu.concatenate %get3A_3, %get3A_8 in 1 : vector<512x64xf32>, vector<512x64xf32> -> vector<512x128xf32>
    %mul3A = vector.broadcast %div3A_22 : vector<512x1xf32> to vector<512x128xf32>
    %mul3A_23 = arith.mulf %concatenate3A, %mul3A : vector<512x128xf32>
    %get3A_24 = arith.constant 0 : index
    %get3A_25 = arith.constant 0 : index
    %get3A_26 = vector.load %arg3[%get3A_24, %get3A_25] : memref<512x16xf32, #tpu.memory_space<vmem>>, vector<512x16xf32>
    %get3A_27 = arith.constant 0 : index
    %get3A_28 = arith.constant 0 : index
    %get3A_29 = vector.load %arg5[%get3A_27, %get3A_28] : memref<16x128xf32, #tpu.memory_space<vmem>>, vector<16x128xf32>
    %dot_general3A = arith.constant dense<0.000000e+00> : vector<512x128xf32>
    %dot_general3A_30 = tpu.matmul %get3A_26, %get3A_29, %dot_general3A {dimension_numbers = #tpu.dot_dimension_numbers<[1], [0], [0], [1], [0, 0, 1, 1], [], []>, transpose_lhs_hint = false} : vector<512x16xf32>, vector<16x128xf32>, vector<512x128xf32> -> vector<512x128xf32>
    %slice3A = vector.extract_strided_slice %get3A_26 {offsets = [0, 0], sizes = [512, 1], strides = [1, 1]} : vector<512x16xf32> to vector<512x1xf32>
    %mul3A_31 = vector.broadcast %slice3A : vector<512x1xf32> to vector<512x128xf32>
    %mul3A_32 = arith.mulf %mul3A_31, %mul3A_23 : vector<512x128xf32>
    %get3A_33 = arith.constant 0 : index
    %get3A_34 = arith.constant 0 : index
    %get3A_35 = arith.constant 0 : index
    %get3A_36 = vector.load %arg4[%get3A_33, %get3A_34, %get3A_35] : memref<12x128x128xf32, #tpu.memory_space<vmem>>, vector<1x128x128xf32>
    %get3A_37 = vector.shape_cast %get3A_36 : vector<1x128x128xf32> to vector<128x128xf32>
    %dot_general3A_38 = arith.constant dense<0.000000e+00> : vector<512x128xf32>
    %dot_general3A_39 = tpu.matmul %mul3A_32, %get3A_37, %dot_general3A_38 {dimension_numbers = #tpu.dot_dimension_numbers<[1], [0], [0], [1], [0, 0, 1, 1], [], []>, transpose_lhs_hint = false} : vector<512x128xf32>, vector<128x128xf32>, vector<512x128xf32> -> vector<512x128xf32>
    %add3A_40 = arith.addf %dot_general3A_30, %dot_general3A_39 : vector<512x128xf32>
    %slice3A_41 = vector.extract_strided_slice %get3A_26 {offsets = [0, 1], sizes = [512, 1], strides = [1, 1]} : vector<512x16xf32> to vector<512x1xf32>
    %mul3A_42 = vector.broadcast %slice3A_41 : vector<512x1xf32> to vector<512x128xf32>
    %mul3A_43 = arith.mulf %mul3A_42, %mul3A_23 : vector<512x128xf32>
    %get3A_44 = arith.constant 1 : index
    %get3A_45 = arith.constant 0 : index
    %get3A_46 = arith.constant 0 : index
    %get3A_47 = vector.load %arg4[%get3A_44, %get3A_45, %get3A_46] : memref<12x128x128xf32, #tpu.memory_space<vmem>>, vector<1x128x128xf32>
    %get3A_48 = vector.shape_cast %get3A_47 : vector<1x128x128xf32> to vector<128x128xf32>
    %dot_general3A_49 = arith.constant dense<0.000000e+00> : vector<512x128xf32>
    %dot_general3A_50 = tpu.matmul %mul3A_43, %get3A_48, %dot_general3A_49 {dimension_numbers = #tpu.dot_dimension_numbers<[1], [0], [0], [1], [0, 0, 1, 1], [], []>, transpose_lhs_hint = false} : vector<512x128xf32>, vector<128x128xf32>, vector<512x128xf32> -> vector<512x128xf32>
    %add3A_51 = arith.addf %add3A_40, %dot_general3A_50 : vector<512x128xf32>
    %slice3A_52 = vector.extract_strided_slice %get3A_26 {offsets = [0, 2], sizes = [512, 1], strides = [1, 1]} : vector<512x16xf32> to vector<512x1xf32>
    %mul3A_53 = vector.broadcast %slice3A_52 : vector<512x1xf32> to vector<512x128xf32>
    %mul3A_54 = arith.mulf %mul3A_53, %mul3A_23 : vector<512x128xf32>
    %get3A_55 = arith.constant 2 : index
    %get3A_56 = arith.constant 0 : index
    %get3A_57 = arith.constant 0 : index
    %get3A_58 = vector.load %arg4[%get3A_55, %get3A_56, %get3A_57] : memref<12x128x128xf32, #tpu.memory_space<vmem>>, vector<1x128x128xf32>
    %get3A_59 = vector.shape_cast %get3A_58 : vector<1x128x128xf32> to vector<128x128xf32>
    %dot_general3A_60 = arith.constant dense<0.000000e+00> : vector<512x128xf32>
    %dot_general3A_61 = tpu.matmul %mul3A_54, %get3A_59, %dot_general3A_60 {dimension_numbers = #tpu.dot_dimension_numbers<[1], [0], [0], [1], [0, 0, 1, 1], [], []>, transpose_lhs_hint = false} : vector<512x128xf32>, vector<128x128xf32>, vector<512x128xf32> -> vector<512x128xf32>
    %add3A_62 = arith.addf %add3A_51, %dot_general3A_61 : vector<512x128xf32>
    %slice3A_63 = vector.extract_strided_slice %get3A_26 {offsets = [0, 3], sizes = [512, 1], strides = [1, 1]} : vector<512x16xf32> to vector<512x1xf32>
    %mul3A_64 = vector.broadcast %slice3A_63 : vector<512x1xf32> to vector<512x128xf32>
    %mul3A_65 = arith.mulf %mul3A_64, %mul3A_23 : vector<512x128xf32>
    %get3A_66 = arith.constant 3 : index
    %get3A_67 = arith.constant 0 : index
    %get3A_68 = arith.constant 0 : index
    %get3A_69 = vector.load %arg4[%get3A_66, %get3A_67, %get3A_68] : memref<12x128x128xf32, #tpu.memory_space<vmem>>, vector<1x128x128xf32>
    %get3A_70 = vector.shape_cast %get3A_69 : vector<1x128x128xf32> to vector<128x128xf32>
    %dot_general3A_71 = arith.constant dense<0.000000e+00> : vector<512x128xf32>
    %dot_general3A_72 = tpu.matmul %mul3A_65, %get3A_70, %dot_general3A_71 {dimension_numbers = #tpu.dot_dimension_numbers<[1], [0], [0], [1], [0, 0, 1, 1], [], []>, transpose_lhs_hint = false} : vector<512x128xf32>, vector<128x128xf32>, vector<512x128xf32> -> vector<512x128xf32>
    %add3A_73 = arith.addf %add3A_62, %dot_general3A_72 : vector<512x128xf32>
    %slice3A_74 = vector.extract_strided_slice %get3A_26 {offsets = [0, 4], sizes = [512, 1], strides = [1, 1]} : vector<512x16xf32> to vector<512x1xf32>
    %mul3A_75 = vector.broadcast %slice3A_74 : vector<512x1xf32> to vector<512x128xf32>
    %mul3A_76 = arith.mulf %mul3A_75, %mul3A_23 : vector<512x128xf32>
    %get3A_77 = arith.constant 4 : index
    %get3A_78 = arith.constant 0 : index
    %get3A_79 = arith.constant 0 : index
    %get3A_80 = vector.load %arg4[%get3A_77, %get3A_78, %get3A_79] : memref<12x128x128xf32, #tpu.memory_space<vmem>>, vector<1x128x128xf32>
    %get3A_81 = vector.shape_cast %get3A_80 : vector<1x128x128xf32> to vector<128x128xf32>
    %dot_general3A_82 = arith.constant dense<0.000000e+00> : vector<512x128xf32>
    %dot_general3A_83 = tpu.matmul %mul3A_76, %get3A_81, %dot_general3A_82 {dimension_numbers = #tpu.dot_dimension_numbers<[1], [0], [0], [1], [0, 0, 1, 1], [], []>, transpose_lhs_hint = false} : vector<512x128xf32>, vector<128x128xf32>, vector<512x128xf32> -> vector<512x128xf32>
    %add3A_84 = arith.addf %add3A_73, %dot_general3A_83 : vector<512x128xf32>
    %slice3A_85 = vector.extract_strided_slice %get3A_26 {offsets = [0, 5], sizes = [512, 1], strides = [1, 1]} : vector<512x16xf32> to vector<512x1xf32>
    %mul3A_86 = vector.broadcast %slice3A_85 : vector<512x1xf32> to vector<512x128xf32>
    %mul3A_87 = arith.mulf %mul3A_86, %mul3A_23 : vector<512x128xf32>
    %get3A_88 = arith.constant 5 : index
    %get3A_89 = arith.constant 0 : index
    %get3A_90 = arith.constant 0 : index
    %get3A_91 = vector.load %arg4[%get3A_88, %get3A_89, %get3A_90] : memref<12x128x128xf32, #tpu.memory_space<vmem>>, vector<1x128x128xf32>
    %get3A_92 = vector.shape_cast %get3A_91 : vector<1x128x128xf32> to vector<128x128xf32>
    %dot_general3A_93 = arith.constant dense<0.000000e+00> : vector<512x128xf32>
    %dot_general3A_94 = tpu.matmul %mul3A_87, %get3A_92, %dot_general3A_93 {dimension_numbers = #tpu.dot_dimension_numbers<[1], [0], [0], [1], [0, 0, 1, 1], [], []>, transpose_lhs_hint = false} : vector<512x128xf32>, vector<128x128xf32>, vector<512x128xf32> -> vector<512x128xf32>
    %add3A_95 = arith.addf %add3A_84, %dot_general3A_94 : vector<512x128xf32>
    %slice3A_96 = vector.extract_strided_slice %get3A_26 {offsets = [0, 6], sizes = [512, 1], strides = [1, 1]} : vector<512x16xf32> to vector<512x1xf32>
    %mul3A_97 = vector.broadcast %slice3A_96 : vector<512x1xf32> to vector<512x128xf32>
    %mul3A_98 = arith.mulf %mul3A_97, %mul3A_23 : vector<512x128xf32>
    %get3A_99 = arith.constant 6 : index
    %get3A_100 = arith.constant 0 : index
    %get3A_101 = arith.constant 0 : index
    %get3A_102 = vector.load %arg4[%get3A_99, %get3A_100, %get3A_101] : memref<12x128x128xf32, #tpu.memory_space<vmem>>, vector<1x128x128xf32>
    %get3A_103 = vector.shape_cast %get3A_102 : vector<1x128x128xf32> to vector<128x128xf32>
    %dot_general3A_104 = arith.constant dense<0.000000e+00> : vector<512x128xf32>
    %dot_general3A_105 = tpu.matmul %mul3A_98, %get3A_103, %dot_general3A_104 {dimension_numbers = #tpu.dot_dimension_numbers<[1], [0], [0], [1], [0, 0, 1, 1], [], []>, transpose_lhs_hint = false} : vector<512x128xf32>, vector<128x128xf32>, vector<512x128xf32> -> vector<512x128xf32>
    %add3A_106 = arith.addf %add3A_95, %dot_general3A_105 : vector<512x128xf32>
    %slice3A_107 = vector.extract_strided_slice %get3A_26 {offsets = [0, 7], sizes = [512, 1], strides = [1, 1]} : vector<512x16xf32> to vector<512x1xf32>
    %mul3A_108 = vector.broadcast %slice3A_107 : vector<512x1xf32> to vector<512x128xf32>
    %mul3A_109 = arith.mulf %mul3A_108, %mul3A_23 : vector<512x128xf32>
    %get3A_110 = arith.constant 7 : index
    %get3A_111 = arith.constant 0 : index
    %get3A_112 = arith.constant 0 : index
    %get3A_113 = vector.load %arg4[%get3A_110, %get3A_111, %get3A_112] : memref<12x128x128xf32, #tpu.memory_space<vmem>>, vector<1x128x128xf32>
    %get3A_114 = vector.shape_cast %get3A_113 : vector<1x128x128xf32> to vector<128x128xf32>
    %dot_general3A_115 = arith.constant dense<0.000000e+00> : vector<512x128xf32>
    %dot_general3A_116 = tpu.matmul %mul3A_109, %get3A_114, %dot_general3A_115 {dimension_numbers = #tpu.dot_dimension_numbers<[1], [0], [0], [1], [0, 0, 1, 1], [], []>, transpose_lhs_hint = false} : vector<512x128xf32>, vector<128x128xf32>, vector<512x128xf32> -> vector<512x128xf32>
    %add3A_117 = arith.addf %add3A_106, %dot_general3A_116 : vector<512x128xf32>
    %slice3A_118 = vector.extract_strided_slice %get3A_26 {offsets = [0, 8], sizes = [512, 1], strides = [1, 1]} : vector<512x16xf32> to vector<512x1xf32>
    %mul3A_119 = vector.broadcast %slice3A_118 : vector<512x1xf32> to vector<512x128xf32>
    %mul3A_120 = arith.mulf %mul3A_119, %mul3A_23 : vector<512x128xf32>
    %get3A_121 = arith.constant 8 : index
    %get3A_122 = arith.constant 0 : index
    %get3A_123 = arith.constant 0 : index
    %get3A_124 = vector.load %arg4[%get3A_121, %get3A_122, %get3A_123] : memref<12x128x128xf32, #tpu.memory_space<vmem>>, vector<1x128x128xf32>
    %get3A_125 = vector.shape_cast %get3A_124 : vector<1x128x128xf32> to vector<128x128xf32>
    %dot_general3A_126 = arith.constant dense<0.000000e+00> : vector<512x128xf32>
    %dot_general3A_127 = tpu.matmul %mul3A_120, %get3A_125, %dot_general3A_126 {dimension_numbers = #tpu.dot_dimension_numbers<[1], [0], [0], [1], [0, 0, 1, 1], [], []>, transpose_lhs_hint = false} : vector<512x128xf32>, vector<128x128xf32>, vector<512x128xf32> -> vector<512x128xf32>
    %add3A_128 = arith.addf %add3A_117, %dot_general3A_127 : vector<512x128xf32>
    %slice3A_129 = vector.extract_strided_slice %get3A_26 {offsets = [0, 9], sizes = [512, 1], strides = [1, 1]} : vector<512x16xf32> to vector<512x1xf32>
    %mul3A_130 = vector.broadcast %slice3A_129 : vector<512x1xf32> to vector<512x128xf32>
    %mul3A_131 = arith.mulf %mul3A_130, %mul3A_23 : vector<512x128xf32>
    %get3A_132 = arith.constant 9 : index
    %get3A_133 = arith.constant 0 : index
    %get3A_134 = arith.constant 0 : index
    %get3A_135 = vector.load %arg4[%get3A_132, %get3A_133, %get3A_134] : memref<12x128x128xf32, #tpu.memory_space<vmem>>, vector<1x128x128xf32>
    %get3A_136 = vector.shape_cast %get3A_135 : vector<1x128x128xf32> to vector<128x128xf32>
    %dot_general3A_137 = arith.constant dense<0.000000e+00> : vector<512x128xf32>
    %dot_general3A_138 = tpu.matmul %mul3A_131, %get3A_136, %dot_general3A_137 {dimension_numbers = #tpu.dot_dimension_numbers<[1], [0], [0], [1], [0, 0, 1, 1], [], []>, transpose_lhs_hint = false} : vector<512x128xf32>, vector<128x128xf32>, vector<512x128xf32> -> vector<512x128xf32>
    %add3A_139 = arith.addf %add3A_128, %dot_general3A_138 : vector<512x128xf32>
    %slice3A_140 = vector.extract_strided_slice %get3A_26 {offsets = [0, 10], sizes = [512, 1], strides = [1, 1]} : vector<512x16xf32> to vector<512x1xf32>
    %mul3A_141 = vector.broadcast %slice3A_140 : vector<512x1xf32> to vector<512x128xf32>
    %mul3A_142 = arith.mulf %mul3A_141, %mul3A_23 : vector<512x128xf32>
    %get3A_143 = arith.constant 10 : index
    %get3A_144 = arith.constant 0 : index
    %get3A_145 = arith.constant 0 : index
    %get3A_146 = vector.load %arg4[%get3A_143, %get3A_144, %get3A_145] : memref<12x128x128xf32, #tpu.memory_space<vmem>>, vector<1x128x128xf32>
    %get3A_147 = vector.shape_cast %get3A_146 : vector<1x128x128xf32> to vector<128x128xf32>
    %dot_general3A_148 = arith.constant dense<0.000000e+00> : vector<512x128xf32>
    %dot_general3A_149 = tpu.matmul %mul3A_142, %get3A_147, %dot_general3A_148 {dimension_numbers = #tpu.dot_dimension_numbers<[1], [0], [0], [1], [0, 0, 1, 1], [], []>, transpose_lhs_hint = false} : vector<512x128xf32>, vector<128x128xf32>, vector<512x128xf32> -> vector<512x128xf32>
    %add3A_150 = arith.addf %add3A_139, %dot_general3A_149 : vector<512x128xf32>
    %slice3A_151 = vector.extract_strided_slice %get3A_26 {offsets = [0, 11], sizes = [512, 1], strides = [1, 1]} : vector<512x16xf32> to vector<512x1xf32>
    %mul3A_152 = vector.broadcast %slice3A_151 : vector<512x1xf32> to vector<512x128xf32>
    %mul3A_153 = arith.mulf %mul3A_152, %mul3A_23 : vector<512x128xf32>
    %get3A_154 = arith.constant 11 : index
    %get3A_155 = arith.constant 0 : index
    %get3A_156 = arith.constant 0 : index
    %get3A_157 = vector.load %arg4[%get3A_154, %get3A_155, %get3A_156] : memref<12x128x128xf32, #tpu.memory_space<vmem>>, vector<1x128x128xf32>
    %get3A_158 = vector.shape_cast %get3A_157 : vector<1x128x128xf32> to vector<128x128xf32>
    %dot_general3A_159 = arith.constant dense<0.000000e+00> : vector<512x128xf32>
    %dot_general3A_160 = tpu.matmul %mul3A_153, %get3A_158, %dot_general3A_159 {dimension_numbers = #tpu.dot_dimension_numbers<[1], [0], [0], [1], [0, 0, 1, 1], [], []>, transpose_lhs_hint = false} : vector<512x128xf32>, vector<128x128xf32>, vector<512x128xf32> -> vector<512x128xf32>
    %add3A_161 = arith.addf %add3A_150, %dot_general3A_160 : vector<512x128xf32>
    %swap3A = arith.constant 0 : index
    %swap3A_162 = arith.constant 0 : index
    %swap3A_163 = vector.load %arg6[%swap3A, %swap3A_162] : memref<512x128xf32, #tpu.memory_space<vmem>>, vector<512x128xf32>
    tpu.vector_store %arg6[%swap3A, %swap3A_162], %add3A_161 {strides = array<i32>} : memref<512x128xf32, #tpu.memory_space<vmem>>, vector<512x128xf32>,
    return
  }
  func.func @transform_0(%arg0: i32) -> (i32, i32, i32) {
    %c0_i32 = arith.constant 0 : i32
    %c0_i32_0 = arith.constant 0 : i32
    %c0_i32_1 = arith.constant 0 : i32
    return %c0_i32, %arg0, %c0_i32_0 : i32, i32, i32
  }
  func.func @transform_1(%arg0: i32) -> (i32, i32, i32) {
    %c0_i32 = arith.constant 0 : i32
    %c0_i32_0 = arith.constant 0 : i32
    %c0_i32_1 = arith.constant 0 : i32
    return %c0_i32, %arg0, %c0_i32_0 : i32, i32, i32
  }
  func.func @transform_2(%arg0: i32) -> (i32, i32) {
    %c0_i32 = arith.constant 0 : i32
    %c0_i32_0 = arith.constant 0 : i32
    return %arg0, %c0_i32 : i32, i32
  }
  func.func @transform_3(%arg0: i32) -> (i32, i32, i32) {
    %c0_i32 = arith.constant 0 : i32
    %c0_i32_0 = arith.constant 0 : i32
    %c0_i32_1 = arith.constant 0 : i32
    %c0_i32_2 = arith.constant 0 : i32
    return %c0_i32, %c0_i32_0, %c0_i32_1 : i32, i32, i32
  }
  func.func @transform_4(%arg0: i32) -> (i32, i32) {
    %c0_i32 = arith.constant 0 : i32
    %c0_i32_0 = arith.constant 0 : i32
    %c0_i32_1 = arith.constant 0 : i32
    return %c0_i32, %c0_i32_0 : i32, i32
  }
  func.func @transform_5(%arg0: i32) -> (i32, i32) {
    %c0_i32 = arith.constant 0 : i32
    %c0_i32_0 = arith.constant 0 : i32
    return %arg0, %c0_i32 : i32, i32
  }
}

</mosaic_0001>

<sc_bundles>
// kernel: kernel.4.cloned.1.call-start
scs
__scs_entry_jumppad:
0x0: {  	(pc) =	sbr.rel $0x88, $3  }
0x1: {  	(tag) =	ssettag $0x0;
	lr =	simm.s32 $0x1  }
0x2: {  	[smem:$0x3F9C] =	sst lr;
	_ =	strace $0xD0000000  }
0x3: {  	_ = 	snop  }
0x4: {  	_ = 	snop  }
0x5: {  	_ = 	snop  }
0x6: {  	_ = 	snop  }
0x7: {  	_ = 	snop  }
__scs_overlays_trampoline_lowered:
0x8: {  	[smem:$0x3FAB] =	sst s0  }
0x9: {  	[smem:$0x3FAC] =	sst s1  }
0xa: {  	[smem:$0x3FAD] =	sst s2  }
0xb: {  	[smem:$0x3FAE] =	sst s3  }
0xc: {  	[smem:$0x3FAF] =	sst s4  }
0xd: {  	[smem:$0x3FB0] =	sst s5  }
0xe: {  	[smem:$0x3FB1] =	sst s6  }
0xf: {  	[smem:$0x3FB2] =	sst s7  }
0x10: {  	[smem:$0x3FB3] =	sst s8  }
0x11: {  	[smem:$0x3FB4] =	sst s9;
	s0 =	simm.s32 @!p0 $0x0  }
0x12: {  	s1 =	sld [smem:$0x3F9A];
	s0 =	simm.s32 @p0 $0x1  }
0x13: {  	[smem:$0x3FB5] =	sst s0;
	s0 =	simm.s32 @!p1 $0x0  }
0x14: {  	s2 =	sld [smem:$0x3F99];
	s0 =	simm.s32 @p1 $0x1  }
0x15: {  	[smem:$0x3FB6] =	sst s0;
	s0 =	simm.s32 @!p2 $0x0  }
0x16: {  	s3 =	sld [smem:$0x3FDB];
	s0 =	simm.s32 @p2 $0x1  }
0x17: {  	s4 =	simm.s32 $0x1BF5;
	[smem:$0x3FB8] =	sst s0  }
0x18: {  	s0 =	sld [smem:$0x3F9B];
	_ =	swait.ge [sflag:s4], $0x0  }
0x19: {  	s7 =	sld [smem:$0x3F9C]  }
0x1a: {  	s8 =	sadd.s32 $0xFFFFE003, lr  }
0x1b: {  	s9 =	sadd.s32 $0xFFFFFEF7, lr;
	s5 =	simm.s32 $0xFFFFFFFF;
	p2 =	slt.u32 s8, $0xFFFFF086  }
0x1c: {  	p1 =	slt.u32 s9, $0xF7A;
	s5 =	simm.s32 @!p2 $0x0  }
0x1d: {  	s5 =	simm.s32 @p1 $0x1;
	p0 =	seq.s32 s7, s2  }
0x1e: {  	s7 =	smul.u32 @!p0 $0xF7A, s2;
	p2 =	seq.s32 @!p0 s5, $0x0  }
0x1f: {  	s9 =	smul.u32 $0xF7A, s1;
	s8 =	simm.s32 @!p0 $0x1BF5;
	p2 =	por !p2, p0  }
0x20: {  	[sflag:s8] =	ssyncset.s32 @!p0 $0xFFFFF086;
	s6 =	sadd.s32 @!p0 s3, s7;
	s7 =	simm.s32 @!p0 $0x108  }
0x21: {  	s3 =	sadd.s32 s3, s9;
	s6 =	sadd.s32 @!p0 $0x88, s6;
	s7 =	simm.s32 @p2 $0x1082  }
0x22: {  	[simem:s7], [sflag:s8] =	dma.local @!p0 [hbm:s6], $0xF7A  }
0x23: {  	s9 =	sor.u32 $0xD0000000, s2;
	s6 =	simm.s32 $0x108;
	_ =	swait.ge @!p0 [sflag:s8], $0x0  }
0x24: {  	s3 =	sadd.s32 $0x88, s3;
	s6 =	simm.s32 @!p1 $0x1082;
	[sflag:s4] =	ssyncset.s32 $0xFFFFF086  }
0x25: {  	[simem:s6], [sflag:s4] =	dma.local [hbm:s3], $0xF7A  }
0x26: {  	[smem:$0x3F9C] =	sst s1;
	(tag) =	ssettag s2;
	_ =	strace s9  }
0x27: {  	s1 =	sld [smem:$0x3FAC]  }
0x28: {  	s2 =	sld [smem:$0x3FAD]  }
0x29: {  	s4 =	sld [smem:$0x3FAF]  }
0x2a: {  	p0 =	seq.s32 s5, $0x0;
	s5 =	sld [smem:$0x3FB0]  }
0x2b: {  	s6 =	sld [smem:$0x3FB1]  }
0x2c: {  	s7 =	sld [smem:$0x3FB2]  }
0x2d: {  	s3 =	simm.s32 $0x108;
	s8 =	sld [smem:$0x3FB3]  }
0x2e: {  	s3 =	simm.s32 @!p0 $0x1082;
	s9 =	sld [smem:$0x3FB4]  }
0x2f: {  	lr =	sadd.s32 s0, s3;
	s0 =	sld [smem:$0x3FAB]  }
0x30: {  	s3 =	sld [smem:$0x3FAE]  }
0x31: {  	[smem:$0x3FB7] =	sst s10  }
0x32: {  	s10 =	sld [smem:$0x3FB5];
	_ =	sdelay $0x3  }
0x33: {  	p0 =	seq.s32 s10, $0x1;
	s10 =	sld [smem:$0x3FB7];
	_ =	sdelay $0x3  }
0x34: {  	[smem:$0x3FB7] =	sst s10  }
0x35: {  	s10 =	sld [smem:$0x3FB6];
	_ =	sdelay $0x3  }
0x36: {  	p1 =	seq.s32 s10, $0x1;
	s10 =	sld [smem:$0x3FB7];
	_ =	sdelay $0x3  }
0x37: {  	[smem:$0x3FB7] =	sst s10  }
0x38: {  	s10 =	sld [smem:$0x3FB8]  }
0x39: {  	_ = 	snop;
	(pc) =	sbr.ind lr, $3  }
0x3a: {  	_ = 	snop  }
0x3b: {  	_ = 	snop  }
0x3c: {  	p2 =	seq.s32 s10, $0x1;
	s10 =	sld [smem:$0x3FB7]  }
0x3d: {  	_ =	shalt  }
0x3e: {  	_ =	shalt  }
0x3f: {  	_ =	shalt  }
0x40: {  	_ =	shalt  }
0x41: {  	_ =	shalt  }
0x42: {  	_ =	shalt  }
0x43: {  	_ =	shalt  }
0x44: {  	_ =	shalt  }
0x45: {  	_ =	shalt  }
0x46: {  	_ =	shalt  }
0x47: {  	_ =	shalt  }
0x48: {  	_ =	shalt  }
0x49: {  	_ =	shalt  }
0x4a: {  	_ =	shalt  }
0x4b: {  	_ =	shalt  }
0x4c: {  	_ =	shalt  }
0x4d: {  	_ =	shalt  }
0x4e: {  	_ =	shalt  }
0x4f: {  	_ =	shalt  }
0x50: {  	_ =	shalt  }
0x51: {  	_ =	shalt  }
0x52: {  	_ =	shalt  }
0x53: {  	_ =	shalt  }
0x54: {  	_ =	shalt  }
0x55: {  	_ =	shalt  }
0x56: {  	_ =	shalt  }
0x57: {  	_ =	shalt  }
0x58: {  	_ =	shalt  }
0x59: {  	_ =	shalt  }
0x5a: {  	_ =	shalt  }
0x5b: {  	_ =	shalt  }
0x5c: {  	_ =	shalt  }
0x5d: {  	_ =	shalt  }
0x5e: {  	_ =	shalt  }
0x5f: {  	_ =	shalt  }
0x60: {  	_ =	shalt  }
0x61: {  	_ =	shalt  }
0x62: {  	_ =	shalt  }
0x63: {  	_ =	shalt  }
0x64: {  	_ =	shalt  }
0x65: {  	_ =	shalt  }
0x66: {  	_ =	shalt  }
0x67: {  	_ =	shalt  }
0x68: {  	_ =	shalt  }
0x69: {  	_ =	shalt  }
0x6a: {  	_ =	shalt  }
0x6b: {  	_ =	shalt  }
0x6c: {  	_ =	shalt  }
0x6d: {  	_ =	shalt  }
0x6e: {  	_ =	shalt  }
0x6f: {  	_ =	shalt  }
0x70: {  	_ =	shalt  }
0x71: {  	_ =	shalt  }
0x72: {  	_ =	shalt  }
0x73: {  	_ =	shalt  }
0x74: {  	_ =	shalt  }
0x75: {  	_ =	shalt  }
0x76: {  	_ =	shalt  }
0x77: {  	_ =	shalt  }
0x78: {  	_ =	shalt  }
0x79: {  	_ =	shalt  }
0x7a: {  	_ =	shalt  }
0x7b: {  	_ =	shalt  }
0x7c: {  	_ =	shalt  }
0x7d: {  	_ =	shalt  }
0x7e: {  	_ =	shalt  }
0x7f: {  	_ =	shalt  }
0x80: {  	_ =	shalt  }
0x81: {  	_ =	shalt  }
0x82: {  	_ =	shalt  }
0x83: {  	_ =	shalt  }
0x84: {  	_ =	shalt  }
0x85: {  	_ =	shalt  }
0x86: {  	_ =	shalt  }
0x87: {  	_ =	shalt  }
.Lfunc_end0:
.L_simem_size_0:
called_computation_lowered:
.L_overlay_start_0:
0x88: {  	s2 =	sld [smem:$0x3FD9]  }
0x89: {  	s3 =	sld [smem:$0x3FFE];
	_ =	sdelay $0x1  }
0x8a: {  	s1 =	srdreg.scid  }
0x8b: {  	s0 =	sand.u32 $0x1, s1  }
0x8c: {  	s17 =	sshll.u32 s0, $0xA;
	s2 =	sadd.s32 s3, s2  }
0x8d: {  	s2 =	sadd.s32 s2, s17  }
0x8e: {  	[smem:$0x3FC3] =	sst s2  }
0x8f: {  	_ = 	snop  }
0x90: {  	s2 =	sld [smem:$0x3FC9]  }
0x91: {  	s18 =	sld [smem:$0x3FD0];
	(tm) =	ssettm $0x1  }
0x92: {  	s4 =	sld [smem:$0x3FFB];
	_ =	sdelay $0x3  }
0x93: {  	_ =	strace s4  }
0x94: {  	s4 =	sld [smem:$0x3FFC];
	_ =	sdelay $0x3  }
0x95: {  	_ =	strace s4  }
0x96: {  	s4 =	sld [smem:$0x3FFD];
	_ =	sdelay $0x3  }
0x97: {  	_ =	strace s4  }
0x98: {  	_ =	strace $0x8FFFFFFF  }
0x99: {  	s19 =	sld [smem:$0x3FDB];
	_ =	sdelay $0x1  }
0x9a: {  	s5 =	simm.s32 $_scs_section_size  }
0x9b: {  	s6 =	simm.s32 $_size__tile_overlayer_lowered;
	s7 =	simm.s32 $_tile_overlayer_lowered  }
0x9c: {  	s22 =	simm.s32 $0x1BFF;
	s21 =	sshll.u32 s7, $0x1;
	s4 =	sadd.s32 s5, s19  }
0x9d: {  	s8 =	simm.s32 $0x0;
	s20 =	sshll.u32 s6, $0x1;
	s6 =	sadd.s32 s21, s4  }
0x9e: {  	[timem:s8], [sflag:s22] =	dma.local [hbm:s6], s20  }
0x9f: {  	_ =	swait.ge [sflag:s22], s20  }
0xa0: {  	s5 =	ssub.s32 $0x0, s20;
	[sflag:s22] =	ssyncset.done $0x0  }
0xa1: {  	[sflag:s22] =	ssyncadd.s32 s5;
	_ =	sdelay $0x1  }
0xa2: {  	s23 =	simm.s32 $0x1B8B  }
0xa3: {  	_ =	swait.ge [sflag:s23], $0x1  }
0xa4: {  	[sflag:s23] =	ssyncset.done $0x0  }
0xa5: {  	s25 =	simm.s32 $0x1B8E;
	s24 =	sld [smem:$0x3FFE];
	[sflag:s23] =	ssyncadd.s32 $0xFFFFFFFF  }
0xa6: {  	s26 =	simm.s32 $execute0_lowered;
	[smem:$0x3FD2] =	sst s25  }
0xa7: {  	s6 =	sshll.u32 s26, $0x1;
	_ =	strace $0x80000046;
	[dreg:$0x1] =	wrdreg $0xFFFFFFFF  }
0xa8: {  	s28 =	simm.s32 $_size_execute0_lowered;
	s4 =	sadd.s32 s4, s6;
	[dreg:$0x0] =	wrdreg $0x0  }
0xa9: {  	s6 =	sshll.u32 s28, $0x1;
	[dreg:$0x2] =	wrdreg s4  }
0xaa: {  	[dreg:$0x3] =	wrdreg s6  }
0xab: {  	[dreg:$0x4] =	wrdreg $0xC0  }
0xac: {  	_ =	task [dreg:s8], $0x5FFFF  }
0xad: {  	[dreg:$0x1] =	wrdreg $0xFFFFFFFF  }
0xae: {  	[dreg:$0x0] =	wrdreg $0x60  }
0xaf: {  	[dreg:$0x2] =	wrdreg s2  }
0xb0: {  	[dreg:$0x3] =	wrdreg s24  }
0xb1: {  	[dreg:$0x4] =	wrdreg s18  }
0xb2: {  	[dreg:$0x5] =	wrdreg $0xBD800  }
0xb3: {  	[dreg:$0x6] =	wrdreg $0x159C00  }
0xb4: {  	[dreg:$0x7] =	wrdreg $0x1F9C00  }
0xb5: {  	[dreg:$0x8] =	wrdreg $0x9  }
0xb6: {  	_ =	task.clear_ibuf [dreg:s8], $0x9FFFF;
	_ =	strace $0x90000046  }
0xb7: {  	s29 =	simm.s32 $0x9;
	_ =	strace $0x80000048  }
0xb8: {  	_ =	swait.ge [sflag:s29], $0x1  }
0xb9: {  	[sflag:s29] =	ssyncadd.s32 $0xFFFFFFFF  }
0xba: {  	_ =	strace $0x90000048  }
0xbb: {  	_ =	sfence  }
0xbc: {  	s30 =	sld [smem:$0x0];
	_ =	sdelay $0x2  }
0xbd: {  	s31 =	sshll.u32 s1, $0xD;
	s1 =	sshrl.u32 s1, $0x2  }
0xbe: {  	s3 =	sand.u32 $0x4000, s31;
	s1 =	sadd.s32 s1, s30  }
0xbf: {  	s0 =	sor.u32 s3, s0;
	s1 =	sshll.u32 s1, $0x11  }
0xc0: {  	s0 =	sor.u32 s1, s0  }
0xc1: {  	s0 =	sadd.s32 $0x8F2B, s0  }
0xc2: {  	[sflag:s0] =	ssyncadd.remote.s32 $0x1  }
0xc3: {  	_ =	sfence.sel $0xFFFF  }
0xc4: {  	[dreg:$0x0] =	wrdreg $0xFFFFFFFF;
	(pc) =	sbr.abs _section_cstart, $3  }
0xc5: {  	[dreg:$0x1] =	wrdreg $0xFFFFFFFF  }
0xc6: {  	_ =	task.clear_ibuf [dreg:s8], $0x2FFFF;
	_ =	strace $0x9FFFFFFF  }
0xc7: {  	(tm) =	ssettm $0x7FFFFFFF  }
tec
execute0_lowered:
.L_overlay_start_1:
0x0: {  	(tag) =	ssettag $0x1  }
0x1: {  	s6 =	rddreg [dreg:$0x0]  }
0x2: {  	s7 =	rddreg [dreg:$0x1]  }
0x3: {  	s8 =	rddreg [dreg:$0x2];
	s1 =	stileid.u32  }
0x4: {  	s2 =	rddreg [dreg:$0x3];
	s9 =	smul.u32 $0x9D0, s1  }
0x5: {  	s3 =	rddreg [dreg:$0x4];
	s10 =	smul.u32 $0x280, s1  }
0x6: {  	s4 =	rddreg [dreg:$0x5];
	s21 =	smul.u32 $0xA000, s1  }
0x7: {  	s11 =	srdreg.scid;
	s25 =	smul.u32 $0x13880, s1  }
0x8: {  	s5 =	simm.s32 $0x0;
	s22 =	sand.u32 $0x1, s11;
	s16 =	smul.u32 $0x27100, s1  }
0x9: {  	s19 =	simm.s32 $0x2;
	[smem:$0x7FF] =	sst s5;
	s12 =	smul.u32 $0xA0000, s22  }
0xa: {  	s30 =	sshll.u32 s1, $0x6;
	_ =	strace $0x80000047;
	s14 =	smul.u32 $0x2800, s22  }
0xb: {  	s26 =	ssub.s32 $0x2, s22;
	s17 =	sshll.u32 s22, $0x6;
	p0 =	seq.s32 s22, $0x0  }
0xc: {  	s22 =	simm.s32 $0x80;
	s13 =	sshrl.u32 s10, $0x3;
	s15 =	sadd.s32 s9, s7  }
0xd: {  	s18 =	sshrl.u32 s26, $0x1;
	s16 =	sshrl.u32 s16, $0x2;
	s31 =	sshrl.u32 s21, $0x3  }
0xe: {  	s20 =	sadd.s32 s21, s3;
	s23 =	sadd.s32 s13, s7;
	s12 =	sadd.s32 s21, s12  }
0xf: {  	s24 =	sadd.s32 s10, s14;
	s14 =	sor.u32 s17, s25;
	s28 =	ssub.s32 s26, s18  }
0x10: {  	s16 =	sadd.s32 s16, s2;
	s8 =	sadd.s32 s8, s31;
	s21 =	sadd.s32 s10, s4  }
0x11: {  	s10 =	sadd.s32 $0xA600, s15;
	s11 =	sadd.s32 $0x800, s15;
	s17 =	simm.s32 $0x8  }
0x12: {  	s18 =	simm.s32 $0x10;
	s20 =	sshrl.u32 s20, $0x3;
	s12 =	sshrl.u32 s12, $0x3  }
0x13: {  	s13 =	sshrl.u32 s24, $0x3;
	s29 =	sshrl.u32 s14, $0x3;
	s9 =	sadd.s32 $0x14400, s23  }
0x14: {  	s14 =	smax.u32 s28, $0x1;
	s15 =	sshrl.u32 s16, $0x3;
	s16 =	simm.s32 $0x1  }
0x15: {  	s21 =	sshrl.u32 s21, $0x3;
	s23 =	simm.s32 $0x9D00;
	s24 =	simm.s32 $0x0  }
0x16: {  	s12 =	sadd.s32 s12, s7;
	s13 =	sadd.s32 s13, s7;
	s6 =	sadd.s32 s6, s29  }
0x17: {  	v0 =	vimm.f32 $1.000000000e+00;
	s7 =	sor.u32 $0x1C02, s30;
	s12 =	sadd.s32 $0x14A00, s12;
	s13 =	sadd.s32 $0x3CA00, s13  }
.LBB2_1:
0x18: {  	[tilespmem:$0xBD00] =	vst v0  }
0x19: {  	[tilespmem:$0xBD10] =	vst v0  }
0x1a: {  	[tilespmem:$0xBD20] =	vst v0  }
0x1b: {  	[tilespmem:$0xBD30] =	vst v0  }
0x1c: {  	[tilespmem:$0xBD40] =	vst v0  }
0x1d: {  	[tilespmem:$0xBD50] =	vst v0  }
0x1e: {  	[tilespmem:$0xBD60] =	vst v0  }
0x1f: {  	[tilespmem:$0xBD70] =	vst v0  }
0x20: {  	[spmem:s15@s17], [sflag:s7] =	dma.strided [hbm:s6@s18], $0x1388, s16, $0x8   }
0x21: {  	_ =	swait.ge [sflag:s19], $0x1388  }
0x22: {  	[sflag:s19] =	ssyncset.done $0x0  }
0x23: {  	[sflag:s19] =	ssyncadd.s32 $0xFFFFEC78  }
0x24: {  	[spmem:s20], [sflag:s7] =	dma.local [hbm:s8], $0x1400  }
0x25: {  	_ =	swait.ge [sflag:s19], $0x1400  }
0x26: {  	[sflag:s19] =	ssyncset.done $0x0  }
0x27: {  	[sflag:s19] =	ssyncadd.s32 $0xFFFFEC00  }
0x28: {  	[spmem:s21], [sflag:s7] =	dma.local [hbm:s9], $0x50  }
0x29: {  	_ =	swait.ge [sflag:s19], $0x50  }
0x2a: {  	[sflag:s19] =	ssyncset.done $0x0  }
0x2b: {  	[sflag:s19] =	ssyncadd.s32 $0xFFFFFFB0  }
0x2c: {  	[tilespmem:s5], [sflag:$0x2] =	stream.linear.gather [hbm4b:s10+s5], $0x4E80, $0x38;
	[tilespmem:$0x1FC40] =	vst v63  }
0x2d: {  	_ =	swait.ge [sflag:s19], $0x4E80  }
0x2e: {  	[sflag:s19] =	ssyncset.done $0x0  }
0x2f: {  	s26 =	simm.s32 $0x4E80;
	[sflag:s19] =	ssyncadd.s32 $0xFFFFB180  }
0x30: {  	[tilespmem:s26], [sflag:$0x2] =	stream.linear.gather [hbm4b:s11+s5], $0x4E80, $0x38;
	[tilespmem:$0x1FC40] =	vst v63  }
0x31: {  	_ =	swait.ge [sflag:s19], $0x4E80  }
0x32: {  	p1 =	por $0x0, $0x0;
	[sflag:s19] =	ssyncset.done $0x0  }
0x33: {  	s28 =	simm.s32 $0x1;
	s25 =	simm.s32 $0x1;
	[sflag:s19] =	ssyncadd.s32 $0xFFFFB180  }
0x34: {  	s28 =	simm.s32 @!p1 $0x0;
	s25 =	simm.s32 @!p0 $0x0;
	[bflag:$0x0] =	sbarrier.arrive $0xFFFF  }
0x35: {  	[tilespmem:s23], [sflag:$0x1] =	stream.indirect.gather [spmem:s2], $0x40, s5, s22, $0xb8;
	[tilespmem:$0x1FC40] =	vst v63  }
0x36: {  	p1 =	seq.s32 s25, s28;
	_ =	swait.ge [sflag:s16], $0x2000  }
0x37: {  	s28 =	simm.s32 @!p1 $0x80;
	[sflag:s16] =	ssyncset.done $0x0  }
0x38: {  	s29 =	simm.s32 @!p1 $0xBD00;
	s30 =	simm.s32 @!p1 $0x2;
	[sflag:s16] =	ssyncadd.s32 $0xFFFFE000  }
0x39: {  	[spmem:s4] =	stream.indirect.scatter.add.f32 @!p1 [tilespmem:s29], [sflag:$0x2], $0x1, s26, s28, $0xb8;
	[tilespmem:$0x1FC40] =	vst v63  }
0x3a: {  	_ =	swait.ge @!p1 [sflag:s30], $0x80  }
0x3b: {  	[sflag:s30] =	ssyncset.done @!p1 $0x0  }
0x3c: {  	[sflag:s30] =	ssyncadd.s32 @!p1 $0xFFFFFF80  }
0x3d: {  	[spmem:s3] =	stream.indirect.scatter.add.f32 [tilespmem:s23], [sflag:$0x2], $0x40, s26, s22, $0xb8;
	[tilespmem:$0x1FC40] =	vst v63  }
0x3e: {  	s28 =	simm.s32 $0x4F00;
	_ =	swait.ge [sflag:s19], $0x2000  }
0x3f: {  	s29 =	simm.s32 $0x0;
	s26 =	simm.s32 $0x1;
	[sflag:s19] =	ssyncset.done $0x0  }
.LBB2_2:
0x40: {  	[sflag:s19] =	ssyncadd.s32 $0xFFFFE000  }
0x41: {  	s29 =	sadd.s32 $0x80, s29;
	s30 =	smov.u32 s26;
	s26 =	sadd.s32 $0x1, s26  }
0x42: {  	[tilespmem:s23], [sflag:$0x1] =	stream.indirect.gather [spmem:s2], $0x40, s29, s22, $0xb8;
	[tilespmem:$0x1FC40] =	vst v63  }
0x43: {  	p2 =	sgt.u32 s30, $0x4D  }
0x44: {  	p1 =	sne.s32 s26, $0x9D;
	s30 =	simm.s32 $0x1;
	_ =	swait.ge [sflag:s16], $0x2000  }
0x45: {  	s30 =	simm.s32 @!p2 $0x0;
	[sflag:s16] =	ssyncset.done $0x0  }
0x46: {  	p2 =	seq.s32 s25, s30;
	[sflag:s16] =	ssyncadd.s32 $0xFFFFE000  }
0x47: {  	s30 =	simm.s32 @!p2 $0x80;
	s31 =	simm.s32 @!p2 $0xBD00;
	s0 =	simm.s32 @!p2 $0x2  }
0x48: {  	[spmem:s4] =	stream.indirect.scatter.add.f32 @!p2 [tilespmem:s31], [sflag:$0x2], $0x1, s28, s30, $0xb8;
	[tilespmem:$0x1FC40] =	vst v63  }
0x49: {  	_ =	swait.ge @!p2 [sflag:s0], $0x80  }
.Ltmp0:
0x4a: {  	[sflag:s0] =	ssyncset.done @!p2 $0x0;
	(pc) =	sbr.rel @p1 .LBB2_2-.Ltmp0, $4  }
0x4b: {  	[sflag:s0] =	ssyncadd.s32 @!p2 $0xFFFFFF80  }
0x4c: {  	[spmem:s3] =	stream.indirect.scatter.add.f32 [tilespmem:s23], [sflag:$0x2], $0x40, s28, s22, $0xb8;
	[tilespmem:$0x1FC40] =	vst v63  }
0x4d: {  	_ =	swait.ge [sflag:s19], $0x2000  }
0x4e: {  	s28 =	sadd.s32 $0x80, s28;
	[sflag:s19] =	ssyncset.done $0x0  }
0x4f: {  	[sflag:s19] =	ssyncadd.s32 $0xFFFFE000  }
0x50: {  	[bflag:$0x0] =	sbarrier.arrive $0xFFFF  }
0x51: {  	[hbm:s12], [sflag:s7] =	dma.local [spmem:s20], $0x1400  }
0x52: {  	s24 =	sadd.s32 $0x1, s24;
	_ =	swait.ge [sflag:s19], $0x1400  }
0x53: {  	p1 =	sne.s32 s24, s14;
	[sflag:s19] =	ssyncset.done $0x0  }
.Ltmp1:
0x54: {  	[sflag:s19] =	ssyncadd.s32 $0xFFFFEC00;
	(pc) =	sbr.rel @p1 .LBB2_1-.Ltmp1, $4  }
0x55: {  	[hbm:s13], [sflag:s7] =	dma.local [spmem:s21], $0x50  }
0x56: {  	_ =	swait.ge [sflag:s19], $0x50  }
0x57: {  	[sflag:s19] =	ssyncset.done $0x0  }
0x58: {  	[sflag:s19] =	ssyncadd.s32 $0xFFFFFFB0  }
0x59: {  	_ =	sfence.sel $0x180000  }
0x5a: {  	[bflag:$0x0] =	sbarrier.arrive $0xFFFF  }
0x5b: {  	_ =	strace $0x90000047  }
0x5c: {  	[bflag:$0x2] =	sbarrier.arrive $0xFFFF  }
0x5d: {  	p0 =	sne.s32 s1, $0x0;
	s0 =	rddreg [dreg:$0x6]  }
0x5e: {  	s0 =	sadd.s32 @!p0 $0x100000, s0  }
0x5f: {  	[sflag:s0] =	ssyncadd.tile.s32 @!p0 $0x1;
	_ =	shalt  }
.Lfunc_end2:
_tile_overlayer_lowered:
.L_overlay_start_2:
0x60: {  	(tag) =	ssettag $0x2  }
0x61: {  	s0 =	rddreg [dreg:$0x0];
	s2 =	stileid.u32  }
0x62: {  	s1 =	rddreg [dreg:$0x1];
	p0 =	sne.s32 s2, $0x0  }
0x63: {  	s3 =	rddreg [dreg:$0x2];
	[bflag:$0x3] =	sbarrier.arrive $0xFFFF;
	s2 =	simm.s32 @!p0 $0x1C02  }
0x64: {  	[timem:s3], [sflag:s2] =	dma.local @!p0 [hbm:s0], s1  }
0x65: {  	s0 =	simm.s32 @!p0 $0x2  }
0x66: {  	_ =	swait.ge @!p0 [sflag:s0], s1  }
0x67: {  	s1 =	ssub.s32 @!p0 $0x0, s1;
	[sflag:s0] =	ssyncset.done @!p0 $0x0  }
0x68: {  	[sflag:s0] =	ssyncadd.s32 @!p0 s1  }
0x69: {  	[bflag:$0x3] =	sbarrier.arrive $0xFFFF  }
0x6a: {  	_ =	shalt  }

</sc_bundles>
